<compile_context>
chip_gen: v7x
topology: tpu7x:2x2x1
jax: 0.10.2.dev20260603
libtpu: 0.0.44.dev20260713+nightly
codegen_flags: <defaults>
</compile_context>

<pallas_src>
import functools

import jax
import jax.numpy as jnp
from jax import lax
from jax.experimental import pallas as pl
from jax.experimental.pallas import tpu as pltpu
from jax.experimental.pallas import tpu_sc as plsc

VOCAB = 100000
EMBED = 128
BATCH = 1024
SEQ = 200

_info = plsc.get_sparse_core_info()
_NC, _NS = _info.num_cores, _info.num_subcores
_NW = _NC * _NS
_TOTAL = BATCH * SEQ
_PER_W = _TOTAL // _NW
_CL = 128
_NCHUNK = _PER_W // _CL
_NBUF = 5
_GLEAD = 2
_WLAG = _NBUF - _GLEAD


@functools.partial(
    pl.kernel,
    mesh=plsc.VectorSubcoreMesh(core_axis_name="c", subcore_axis_name="s"),
    out_type=jax.ShapeDtypeStruct((_TOTAL, EMBED), jnp.float32),
    scratch_types=(
        [pltpu.VMEM((_NCHUNK, _CL), jnp.int32)]
        + [pltpu.VMEM((_CL, EMBED), jnp.float32)] * _NBUF
        + [pltpu.SemaphoreType.DMA] * (2 * _NBUF)
    ),
)
def _gather_kernel(idx_hbm, table_hbm, out_hbm, idx_v, *bufs_and_sems):
    rows_bufs = bufs_and_sems[:_NBUF]
    gsems = bufs_and_sems[_NBUF:2 * _NBUF]
    osems = bufs_and_sems[2 * _NBUF:]
    wid = lax.axis_index("s") * _NC + lax.axis_index("c")
    base = wid * _PER_W

    pltpu.sync_copy(idx_hbm.at[wid], idx_v)

    def gather(j, b):
        pltpu.async_copy(table_hbm.at[idx_v.at[j]], rows_bufs[b], gsems[b])

    def wait_gather(j, b):
        pltpu.make_async_copy(table_hbm.at[idx_v.at[j]], rows_bufs[b],
                              gsems[b]).wait()

    def write(j, b):
        pltpu.async_copy(rows_bufs[b], out_hbm.at[pl.ds(base + j * _CL, _CL)],
                         osems[b])

    def wait_write(j, b):
        pltpu.make_async_copy(rows_bufs[b],
                              out_hbm.at[pl.ds(base + j * _CL, _CL)],
                              osems[b]).wait()

    for b in range(_GLEAD):
        gather(b, b)

    def body(g, _):
        for b in range(_NBUF):
            i = g * _NBUF + b

            @pl.when(i + _GLEAD < _NCHUNK)
            def _():
                @pl.when(i >= _WLAG)
                def _():
                    wait_write(i - _WLAG, (b + _GLEAD) % _NBUF)
                gather(i + _GLEAD, (b + _GLEAD) % _NBUF)

            wait_gather(i, b)
            write(i, b)

        return 0

    lax.fori_loop(0, _NCHUNK // _NBUF, body, 0)

    for b in range(_NBUF):
        i = _NCHUNK - _NBUF + b
        wait_write(i, i % _NBUF)


_TBLK = 10000


def _copy_body(src_ref, dst_ref):
    dst_ref[...] = src_ref[...]


_table_copy = pl.pallas_call(
    _copy_body,
    out_shape=jax.ShapeDtypeStruct((VOCAB, EMBED), jnp.float32),
    grid=(VOCAB // _TBLK,),
    in_specs=[pl.BlockSpec((_TBLK, EMBED), lambda i: (i, 0))],
    out_specs=pl.BlockSpec((_TBLK, EMBED), lambda i: (i, 0)),
)


def kernel(inputs, embedding_table):
    idx = jnp.reshape(inputs.astype(jnp.int32), (_NW, _NCHUNK, _CL))
    tbl = _table_copy(embedding_table)
    out = _gather_kernel(idx, embedding_table)
    return (jnp.reshape(out, (BATCH, SEQ, EMBED)), tbl)

# --- scband reference (transcript-rebuilt; emitter-appended) ---
"""Pipeline reference for scband-embeddings-51642686767200 (READ-ONLY COPY).

The authoritative reference and input builder live on the scoring server;
editing this copy changes nothing except your own understanding.
"""

import jax, jax.numpy as jnp
import numpy as np

VOCAB_SIZE = 100000
EMBED_SIZE = 128
BATCH = 1024
SEQ = 200

def setup_inputs(seed: int = 0) -> dict:
    key = jax.random.key(seed)
    k_ids, k_tab = jax.random.split(key)
    inputs = jax.random.randint(k_ids, (BATCH, SEQ), 0, VOCAB_SIZE, dtype=jnp.int64 if jax.config.jax_enable_x64 else jnp.int32)
    embedding_table = (jax.random.truncated_normal(k_tab, -2.0, 2.0, (VOCAB_SIZE, EMBED_SIZE), dtype=jnp.float32) * 0.02)
    return {"inputs": inputs, "embedding_table": embedding_table}

def reference(inputs, embedding_table):
    # Mirror of EmbeddingLookup.call with use_one_hot_embeddings=False
    # rank-2 input -> expand last dim
    ids = inputs[..., None]  # [B, S, 1]
    out = jnp.take(embedding_table, ids, axis=0)  # [B, S, 1, E]
    b, s, last = ids.shape
    out = jnp.reshape(out, (b, s, last * EMBED_SIZE))  # [B, S, E]
    return (out, embedding_table)

if __name__ == "__main__":
    import jax
    _d = setup_inputs()
    print(jax.jit(kernel)(*tuple(_d.values())))

</pallas_src>

<mosaic_0001>
#map = affine_map<(d0, d1) -> (0, 0, 0)>
#map1 = affine_map<(d0, d1) -> (0, 0)>
module attributes {stable_mosaic.version = 14 : i64} {
  func.func @_gather_kernel(%arg0: i32, %arg1: i32, %arg2: memref<32x50x128xi32, #tpu.memory_space<hbm>>, %arg3: memref<100000x128xf32, #tpu.memory_space<hbm>>, %arg4: memref<204800x128xf32, #tpu.memory_space<hbm>>, %arg5: memref<50x128xi32, #tpu.memory_space<vmem>>, %arg6: memref<128x128xf32, #tpu.memory_space<vmem>>, %arg7: memref<128x128xf32, #tpu.memory_space<vmem>>, %arg8: memref<128x128xf32, #tpu.memory_space<vmem>>, %arg9: memref<128x128xf32, #tpu.memory_space<vmem>>, %arg10: memref<128x128xf32, #tpu.memory_space<vmem>>, %arg11: memref<!tpu.dma_semaphore, #tpu.memory_space<semaphore_mem>>, %arg12: memref<!tpu.dma_semaphore, #tpu.memory_space<semaphore_mem>>, %arg13: memref<!tpu.dma_semaphore, #tpu.memory_space<semaphore_mem>>, %arg14: memref<!tpu.dma_semaphore, #tpu.memory_space<semaphore_mem>>, %arg15: memref<!tpu.dma_semaphore, #tpu.memory_space<semaphore_mem>>, %arg16: memref<!tpu.dma_semaphore, #tpu.memory_space<semaphore_mem>>, %arg17: memref<!tpu.dma_semaphore, #tpu.memory_space<semaphore_mem>>, %arg18: memref<!tpu.dma_semaphore, #tpu.memory_space<semaphore_mem>>, %arg19: memref<!tpu.dma_semaphore, #tpu.memory_space<semaphore_mem>>, %arg20: memref<!tpu.dma_semaphore, #tpu.memory_space<semaphore_mem>>) attributes {dimension_semantics = [#tpu.dimension_semantics<core_parallel>, #tpu.dimension_semantics<subcore_parallel>], iteration_bounds = array<i64: 2, 16>, scalar_prefetch = 0 : i64, scratch_operands = 16 : i64, tpu.core_type = #tpu.core_type<sc_vector_subcore>, window_params = [{transform_indices = #map}, {transform_indices = #map1}, {transform_indices = #map1}]} {
    %mul3A = arith.constant 2 : i32
    %mul3A_0 = arith.muli %arg1, %mul3A : i32
    %add3A = arith.addi %mul3A_0, %arg0 : i32
    %mul3A_1 = arith.constant 6400 : i32
    %mul3A_2 = arith.muli %add3A, %mul3A_1 : i32
    "tpu.region"() ({
      %run_scoped3A = tpu.sem_alloc : memref<!tpu.dma_semaphore, #tpu.memory_space<semaphore_mem>>
      %dma_start3A_51 = arith.constant 0 : i32
      %dma_start3A_52 = arith.constant 0 : i32
      %dma_start3A_53 = tpu.memref_slice %arg2[%add3A, %dma_start3A_51, %dma_start3A_52] : memref<32x50x128xi32, #tpu.memory_space<hbm>> -> memref<1x50x128xi32, #tpu.memory_space<hbm>>
      %dma_start3A_54 = tpu.memref_squeeze %dma_start3A_53 : memref<1x50x128xi32, #tpu.memory_space<hbm>> -> memref<50x128xi32, #tpu.memory_space<hbm>>
      %dma_start3A_55 = arith.constant 0 : i32
      %dma_start3A_56 = arith.constant 0 : i32
      %dma_start3A_57 = tpu.memref_slice %arg2[%add3A, %dma_start3A_55, %dma_start3A_56] : memref<32x50x128xi32, #tpu.memory_space<hbm>> -> memref<1x50x128xi32, #tpu.memory_space<hbm>>
      %dma_start3A_58 = tpu.memref_squeeze %dma_start3A_57 : memref<1x50x128xi32, #tpu.memory_space<hbm>> -> memref<50x128xi32, #tpu.memory_space<hbm>>
      tpu.enqueue_dma source(%dma_start3A_58 : memref<50x128xi32, #tpu.memory_space<hbm>>) target(%arg5 : memref<50x128xi32, #tpu.memory_space<vmem>>) target_semaphore(%run_scoped3A : memref<!tpu.dma_semaphore, #tpu.memory_space<semaphore_mem>>)
      %dma_wait3A_59 = arith.constant 0 : i32
      %dma_wait3A_60 = arith.constant 0 : i32
      %dma_wait3A_61 = tpu.memref_slice %arg2[%add3A, %dma_wait3A_59, %dma_wait3A_60] : memref<32x50x128xi32, #tpu.memory_space<hbm>> -> memref<1x50x128xi32, #tpu.memory_space<hbm>>
      %dma_wait3A_62 = tpu.memref_squeeze %dma_wait3A_61 : memref<1x50x128xi32, #tpu.memory_space<hbm>> -> memref<50x128xi32, #tpu.memory_space<hbm>>
      %dma_wait3A_63 = arith.constant 0 : i32
      %dma_wait3A_64 = arith.constant 0 : i32
      %dma_wait3A_65 = tpu.memref_slice %arg2[%add3A, %dma_wait3A_63, %dma_wait3A_64] : memref<32x50x128xi32, #tpu.memory_space<hbm>> -> memref<1x50x128xi32, #tpu.memory_space<hbm>>
      %dma_wait3A_66 = tpu.memref_squeeze %dma_wait3A_65 : memref<1x50x128xi32, #tpu.memory_space<hbm>> -> memref<50x128xi32, #tpu.memory_space<hbm>>
      tpu.wait_dma2 semaphore(%run_scoped3A : memref<!tpu.dma_semaphore, #tpu.memory_space<semaphore_mem>>) src(%dma_wait3A_66 : memref<50x128xi32, #tpu.memory_space<hbm>>) dst(%arg5 : memref<50x128xi32, #tpu.memory_space<vmem>>)
      tpu.yield
    }) : () -> ()
    %dma_start3A = arith.constant 0 : i32
    %dma_start3A_3 = arith.constant 0 : i32
    %dma_start3A_4 = tpu.memref_slice %arg5[%dma_start3A, %dma_start3A_3] : memref<50x128xi32, #tpu.memory_space<vmem>> -> memref<1x128xi32, #tpu.memory_space<vmem>>
    %dma_start3A_5 = tpu.memref_squeeze %dma_start3A_4 : memref<1x128xi32, #tpu.memory_space<vmem>> -> memref<128xi32, #tpu.memory_space<vmem>>
    %dma_start3A_6 = arith.constant 0 : i32
    %dma_start3A_7 = arith.constant 0 : i32
    %dma_start3A_8 = tpu.memref_slice %arg3[%dma_start3A_6, %dma_start3A_7] : memref<100000x128xf32, #tpu.memory_space<hbm>> -> memref<100000x128xf32, #tpu.memory_space<hbm>>
    tpu.enqueue_indirect_dma source(%dma_start3A_8 : memref<100000x128xf32, #tpu.memory_space<hbm>>) target(%arg6 : memref<128x128xf32, #tpu.memory_space<vmem>>) offsets(%dma_start3A_5 : memref<128xi32, #tpu.memory_space<vmem>>) semaphore(%arg11 : memref<!tpu.dma_semaphore, #tpu.memory_space<semaphore_mem>>)
    %dma_start3A_9 = arith.constant 1 : i32
    %dma_start3A_10 = arith.constant 0 : i32
    %dma_start3A_11 = tpu.memref_slice %arg5[%dma_start3A_9, %dma_start3A_10] : memref<50x128xi32, #tpu.memory_space<vmem>> -> memref<1x128xi32, #tpu.memory_space<vmem>>
    %dma_start3A_12 = tpu.memref_squeeze %dma_start3A_11 : memref<1x128xi32, #tpu.memory_space<vmem>> -> memref<128xi32, #tpu.memory_space<vmem>>
    %dma_start3A_13 = arith.constant 0 : i32
    %dma_start3A_14 = arith.constant 0 : i32
    %dma_start3A_15 = tpu.memref_slice %arg3[%dma_start3A_13, %dma_start3A_14] : memref<100000x128xf32, #tpu.memory_space<hbm>> -> memref<100000x128xf32, #tpu.memory_space<hbm>>
    tpu.enqueue_indirect_dma source(%dma_start3A_15 : memref<100000x128xf32, #tpu.memory_space<hbm>>) target(%arg7 : memref<128x128xf32, #tpu.memory_space<vmem>>) offsets(%dma_start3A_12 : memref<128xi32, #tpu.memory_space<vmem>>) semaphore(%arg12 : memref<!tpu.dma_semaphore, #tpu.memory_space<semaphore_mem>>)
    %scan3A = arith.constant 0 : i32
    %scan3A_16 = arith.constant 0 : i32
    %scan3A_17 = arith.constant 10 : i32
    %scan3A_18 = arith.addi %scan3A_16, %scan3A_17 : i32
    %scan3A_19 = arith.constant 1 : i32
    %scan3A_20 = scf.for %scan3A_51 = %scan3A_16 to %scan3A_18 step %scan3A_19 iter_args(%scan3A_52 = %scan3A) -> (i32)  : i32 {
      %mul3A_53 = arith.constant 5 : i32
      %mul3A_54 = arith.muli %scan3A_51, %mul3A_53 : i32
      %add3A_55 = arith.constant 0 : i32
      %add3A_56 = arith.addi %mul3A_54, %add3A_55 : i32
      %add3A_57 = arith.constant 2 : i32
      %add3A_58 = arith.addi %add3A_56, %add3A_57 : i32
      %lt3A = arith.constant 50 : i32
      %lt3A_59 = arith.cmpi slt, %add3A_58, %lt3A : i32
      %convert_element_type3A = arith.extui %lt3A_59 : i1 to i32
      %cond3A = arith.constant 0 : i32
      %cond3A_60 = arith.cmpi ne, %convert_element_type3A, %cond3A : i32
      scf.if %cond3A_60 {
        %ge3A = arith.constant 3 : i32
        %ge3A_171 = arith.cmpi sge, %add3A_56, %ge3A : i32
        %convert_element_type3A_172 = arith.extui %ge3A_171 : i1 to i32
        %cond3A_173 = arith.constant 0 : i32
        %cond3A_174 = arith.cmpi ne, %convert_element_type3A_172, %cond3A_173 : i32
        scf.if %cond3A_174 {
          %sub3A = arith.constant 3 : i32
          %sub3A_183 = arith.subi %add3A_56, %sub3A : i32
          %mul3A_184 = arith.constant 128 : i32
          %mul3A_185 = arith.muli %sub3A_183, %mul3A_184 : i32
          %add3A_186 = arith.addi %mul3A_2, %mul3A_185 : i32
          %dma_wait3A_187 = arith.constant 0 : i32
          %dma_wait3A_188 = tpu.memref_slice %arg4[%add3A_186, %dma_wait3A_187] : memref<204800x128xf32, #tpu.memory_space<hbm>> -> memref<128x128xf32, #tpu.memory_space<hbm>>
          %dma_wait3A_189 = arith.constant 0 : i32
          %dma_wait3A_190 = tpu.memref_slice %arg4[%add3A_186, %dma_wait3A_189] : memref<204800x128xf32, #tpu.memory_space<hbm>> -> memref<128x128xf32, #tpu.memory_space<hbm>>
          tpu.wait_dma2 semaphore(%arg18 : memref<!tpu.dma_semaphore, #tpu.memory_space<semaphore_mem>>) src(%arg8 : memref<128x128xf32, #tpu.memory_space<vmem>>) dst(%dma_wait3A_190 : memref<128x128xf32, #tpu.memory_space<hbm>>)
        } else {
        }
        %add3A_175 = arith.constant 2 : i32
        %add3A_176 = arith.addi %add3A_56, %add3A_175 : i32
        %dma_start3A_177 = arith.constant 0 : i32
        %dma_start3A_178 = tpu.memref_slice %arg5[%add3A_176, %dma_start3A_177] : memref<50x128xi32, #tpu.memory_space<vmem>> -> memref<1x128xi32, #tpu.memory_space<vmem>>
        %dma_start3A_179 = tpu.memref_squeeze %dma_start3A_178 : memref<1x128xi32, #tpu.memory_space<vmem>> -> memref<128xi32, #tpu.memory_space<vmem>>
        %dma_start3A_180 = arith.constant 0 : i32
        %dma_start3A_181 = arith.constant 0 : i32
        %dma_start3A_182 = tpu.memref_slice %arg3[%dma_start3A_180, %dma_start3A_181] : memref<100000x128xf32, #tpu.memory_space<hbm>> -> memref<100000x128xf32, #tpu.memory_space<hbm>>
        tpu.enqueue_indirect_dma source(%dma_start3A_182 : memref<100000x128xf32, #tpu.memory_space<hbm>>) target(%arg8 : memref<128x128xf32, #tpu.memory_space<vmem>>) offsets(%dma_start3A_179 : memref<128xi32, #tpu.memory_space<vmem>>) semaphore(%arg13 : memref<!tpu.dma_semaphore, #tpu.memory_space<semaphore_mem>>)
      } else {
      }
      %dma_wait3A_61 = arith.constant 0 : i32
      %dma_wait3A_62 = tpu.memref_slice %arg5[%add3A_56, %dma_wait3A_61] : memref<50x128xi32, #tpu.memory_space<vmem>> -> memref<1x128xi32, #tpu.memory_space<vmem>>
      %dma_wait3A_63 = tpu.memref_squeeze %dma_wait3A_62 : memref<1x128xi32, #tpu.memory_space<vmem>> -> memref<128xi32, #tpu.memory_space<vmem>>
      %dma_wait3A_64 = arith.constant 0 : i32
      %dma_wait3A_65 = arith.constant 0 : i32
      %dma_wait3A_66 = tpu.memref_slice %arg3[%dma_wait3A_64, %dma_wait3A_65] : memref<100000x128xf32, #tpu.memory_space<hbm>> -> memref<100000x128xf32, #tpu.memory_space<hbm>>
      tpu.wait_indirect_dma semaphore(%arg11 : memref<!tpu.dma_semaphore, #tpu.memory_space<semaphore_mem>>) src(%dma_wait3A_66 : memref<100000x128xf32, #tpu.memory_space<hbm>>) dst(%arg6 : memref<128x128xf32, #tpu.memory_space<vmem>>)
      %mul3A_67 = arith.constant 128 : i32
      %mul3A_68 = arith.muli %add3A_56, %mul3A_67 : i32
      %add3A_69 = arith.addi %mul3A_2, %mul3A_68 : i32
      %dma_start3A_70 = arith.constant 0 : i32
      %dma_start3A_71 = tpu.memref_slice %arg4[%add3A_69, %dma_start3A_70] : memref<204800x128xf32, #tpu.memory_space<hbm>> -> memref<128x128xf32, #tpu.memory_space<hbm>>
      %dma_start3A_72 = arith.constant 0 : i32
      %dma_start3A_73 = tpu.memref_slice %arg4[%add3A_69, %dma_start3A_72] : memref<204800x128xf32, #tpu.memory_space<hbm>> -> memref<128x128xf32, #tpu.memory_space<hbm>>
      tpu.enqueue_dma source(%arg6 : memref<128x128xf32, #tpu.memory_space<vmem>>) target(%dma_start3A_73 : memref<128x128xf32, #tpu.memory_space<hbm>>) target_semaphore(%arg16 : memref<!tpu.dma_semaphore, #tpu.memory_space<semaphore_mem>>)
      %mul3A_74 = arith.constant 5 : i32
      %mul3A_75 = arith.muli %scan3A_51, %mul3A_74 : i32
      %add3A_76 = arith.constant 1 : i32
      %add3A_77 = arith.addi %mul3A_75, %add3A_76 : i32
      %add3A_78 = arith.constant 2 : i32
      %add3A_79 = arith.addi %add3A_77, %add3A_78 : i32
      %lt3A_80 = arith.constant 50 : i32
      %lt3A_81 = arith.cmpi slt, %add3A_79, %lt3A_80 : i32
      %convert_element_type3A_82 = arith.extui %lt3A_81 : i1 to i32
      %cond3A_83 = arith.constant 0 : i32
      %cond3A_84 = arith.cmpi ne, %convert_element_type3A_82, %cond3A_83 : i32
      scf.if %cond3A_84 {
        %ge3A = arith.constant 3 : i32
        %ge3A_171 = arith.cmpi sge, %add3A_77, %ge3A : i32
        %convert_element_type3A_172 = arith.extui %ge3A_171 : i1 to i32
        %cond3A_173 = arith.constant 0 : i32
        %cond3A_174 = arith.cmpi ne, %convert_element_type3A_172, %cond3A_173 : i32
        scf.if %cond3A_174 {
          %sub3A = arith.constant 3 : i32
          %sub3A_183 = arith.subi %add3A_77, %sub3A : i32
          %mul3A_184 = arith.constant 128 : i32
          %mul3A_185 = arith.muli %sub3A_183, %mul3A_184 : i32
          %add3A_186 = arith.addi %mul3A_2, %mul3A_185 : i32
          %dma_wait3A_187 = arith.constant 0 : i32
          %dma_wait3A_188 = tpu.memref_slice %arg4[%add3A_186, %dma_wait3A_187] : memref<204800x128xf32, #tpu.memory_space<hbm>> -> memref<128x128xf32, #tpu.memory_space<hbm>>
          %dma_wait3A_189 = arith.constant 0 : i32
          %dma_wait3A_190 = tpu.memref_slice %arg4[%add3A_186, %dma_wait3A_189] : memref<204800x128xf32, #tpu.memory_space<hbm>> -> memref<128x128xf32, #tpu.memory_space<hbm>>
          tpu.wait_dma2 semaphore(%arg19 : memref<!tpu.dma_semaphore, #tpu.memory_space<semaphore_mem>>) src(%arg9 : memref<128x128xf32, #tpu.memory_space<vmem>>) dst(%dma_wait3A_190 : memref<128x128xf32, #tpu.memory_space<hbm>>)
        } else {
        }
        %add3A_175 = arith.constant 2 : i32
        %add3A_176 = arith.addi %add3A_77, %add3A_175 : i32
        %dma_start3A_177 = arith.constant 0 : i32
        %dma_start3A_178 = tpu.memref_slice %arg5[%add3A_176, %dma_start3A_177] : memref<50x128xi32, #tpu.memory_space<vmem>> -> memref<1x128xi32, #tpu.memory_space<vmem>>
        %dma_start3A_179 = tpu.memref_squeeze %dma_start3A_178 : memref<1x128xi32, #tpu.memory_space<vmem>> -> memref<128xi32, #tpu.memory_space<vmem>>
        %dma_start3A_180 = arith.constant 0 : i32
        %dma_start3A_181 = arith.constant 0 : i32
        %dma_start3A_182 = tpu.memref_slice %arg3[%dma_start3A_180, %dma_start3A_181] : memref<100000x128xf32, #tpu.memory_space<hbm>> -> memref<100000x128xf32, #tpu.memory_space<hbm>>
        tpu.enqueue_indirect_dma source(%dma_start3A_182 : memref<100000x128xf32, #tpu.memory_space<hbm>>) target(%arg9 : memref<128x128xf32, #tpu.memory_space<vmem>>) offsets(%dma_start3A_179 : memref<128xi32, #tpu.memory_space<vmem>>) semaphore(%arg14 : memref<!tpu.dma_semaphore, #tpu.memory_space<semaphore_mem>>)
      } else {
      }
      %dma_wait3A_85 = arith.constant 0 : i32
      %dma_wait3A_86 = tpu.memref_slice %arg5[%add3A_77, %dma_wait3A_85] : memref<50x128xi32, #tpu.memory_space<vmem>> -> memref<1x128xi32, #tpu.memory_space<vmem>>
      %dma_wait3A_87 = tpu.memref_squeeze %dma_wait3A_86 : memref<1x128xi32, #tpu.memory_space<vmem>> -> memref<128xi32, #tpu.memory_space<vmem>>
      %dma_wait3A_88 = arith.constant 0 : i32
      %dma_wait3A_89 = arith.constant 0 : i32
      %dma_wait3A_90 = tpu.memref_slice %arg3[%dma_wait3A_88, %dma_wait3A_89] : memref<100000x128xf32, #tpu.memory_space<hbm>> -> memref<100000x128xf32, #tpu.memory_space<hbm>>
      tpu.wait_indirect_dma semaphore(%arg12 : memref<!tpu.dma_semaphore, #tpu.memory_space<semaphore_mem>>) src(%dma_wait3A_90 : memref<100000x128xf32, #tpu.memory_space<hbm>>) dst(%arg7 : memref<128x128xf32, #tpu.memory_space<vmem>>)
      %mul3A_91 = arith.constant 128 : i32
      %mul3A_92 = arith.muli %add3A_77, %mul3A_91 : i32
      %add3A_93 = arith.addi %mul3A_2, %mul3A_92 : i32
      %dma_start3A_94 = arith.constant 0 : i32
      %dma_start3A_95 = tpu.memref_slice %arg4[%add3A_93, %dma_start3A_94] : memref<204800x128xf32, #tpu.memory_space<hbm>> -> memref<128x128xf32, #tpu.memory_space<hbm>>
      %dma_start3A_96 = arith.constant 0 : i32
      %dma_start3A_97 = tpu.memref_slice %arg4[%add3A_93, %dma_start3A_96] : memref<204800x128xf32, #tpu.memory_space<hbm>> -> memref<128x128xf32, #tpu.memory_space<hbm>>
      tpu.enqueue_dma source(%arg7 : memref<128x128xf32, #tpu.memory_space<vmem>>) target(%dma_start3A_97 : memref<128x128xf32, #tpu.memory_space<hbm>>) target_semaphore(%arg17 : memref<!tpu.dma_semaphore, #tpu.memory_space<semaphore_mem>>)
      %mul3A_98 = arith.constant 5 : i32
      %mul3A_99 = arith.muli %scan3A_51, %mul3A_98 : i32
      %add3A_100 = arith.constant 2 : i32
      %add3A_101 = arith.addi %mul3A_99, %add3A_100 : i32
      %add3A_102 = arith.constant 2 : i32
      %add3A_103 = arith.addi %add3A_101, %add3A_102 : i32
      %lt3A_104 = arith.constant 50 : i32
      %lt3A_105 = arith.cmpi slt, %add3A_103, %lt3A_104 : i32
      %convert_element_type3A_106 = arith.extui %lt3A_105 : i1 to i32
      %cond3A_107 = arith.constant 0 : i32
      %cond3A_108 = arith.cmpi ne, %convert_element_type3A_106, %cond3A_107 : i32
      scf.if %cond3A_108 {
        %ge3A = arith.constant 3 : i32
        %ge3A_171 = arith.cmpi sge, %add3A_101, %ge3A : i32
        %convert_element_type3A_172 = arith.extui %ge3A_171 : i1 to i32
        %cond3A_173 = arith.constant 0 : i32
        %cond3A_174 = arith.cmpi ne, %convert_element_type3A_172, %cond3A_173 : i32
        scf.if %cond3A_174 {
          %sub3A = arith.constant 3 : i32
          %sub3A_183 = arith.subi %add3A_101, %sub3A : i32
          %mul3A_184 = arith.constant 128 : i32
          %mul3A_185 = arith.muli %sub3A_183, %mul3A_184 : i32
          %add3A_186 = arith.addi %mul3A_2, %mul3A_185 : i32
          %dma_wait3A_187 = arith.constant 0 : i32
          %dma_wait3A_188 = tpu.memref_slice %arg4[%add3A_186, %dma_wait3A_187] : memref<204800x128xf32, #tpu.memory_space<hbm>> -> memref<128x128xf32, #tpu.memory_space<hbm>>
          %dma_wait3A_189 = arith.constant 0 : i32
          %dma_wait3A_190 = tpu.memref_slice %arg4[%add3A_186, %dma_wait3A_189] : memref<204800x128xf32, #tpu.memory_space<hbm>> -> memref<128x128xf32, #tpu.memory_space<hbm>>
          tpu.wait_dma2 semaphore(%arg20 : memref<!tpu.dma_semaphore, #tpu.memory_space<semaphore_mem>>) src(%arg10 : memref<128x128xf32, #tpu.memory_space<vmem>>) dst(%dma_wait3A_190 : memref<128x128xf32, #tpu.memory_space<hbm>>)
        } else {
        }
        %add3A_175 = arith.constant 2 : i32
        %add3A_176 = arith.addi %add3A_101, %add3A_175 : i32
        %dma_start3A_177 = arith.constant 0 : i32
        %dma_start3A_178 = tpu.memref_slice %arg5[%add3A_176, %dma_start3A_177] : memref<50x128xi32, #tpu.memory_space<vmem>> -> memref<1x128xi32, #tpu.memory_space<vmem>>
        %dma_start3A_179 = tpu.memref_squeeze %dma_start3A_178 : memref<1x128xi32, #tpu.memory_space<vmem>> -> memref<128xi32, #tpu.memory_space<vmem>>
        %dma_start3A_180 = arith.constant 0 : i32
        %dma_start3A_181 = arith.constant 0 : i32
        %dma_start3A_182 = tpu.memref_slice %arg3[%dma_start3A_180, %dma_start3A_181] : memref<100000x128xf32, #tpu.memory_space<hbm>> -> memref<100000x128xf32, #tpu.memory_space<hbm>>
        tpu.enqueue_indirect_dma source(%dma_start3A_182 : memref<100000x128xf32, #tpu.memory_space<hbm>>) target(%arg10 : memref<128x128xf32, #tpu.memory_space<vmem>>) offsets(%dma_start3A_179 : memref<128xi32, #tpu.memory_space<vmem>>) semaphore(%arg15 : memref<!tpu.dma_semaphore, #tpu.memory_space<semaphore_mem>>)
      } else {
      }
      %dma_wait3A_109 = arith.constant 0 : i32
      %dma_wait3A_110 = tpu.memref_slice %arg5[%add3A_101, %dma_wait3A_109] : memref<50x128xi32, #tpu.memory_space<vmem>> -> memref<1x128xi32, #tpu.memory_space<vmem>>
      %dma_wait3A_111 = tpu.memref_squeeze %dma_wait3A_110 : memref<1x128xi32, #tpu.memory_space<vmem>> -> memref<128xi32, #tpu.memory_space<vmem>>
      %dma_wait3A_112 = arith.constant 0 : i32
      %dma_wait3A_113 = arith.constant 0 : i32
      %dma_wait3A_114 = tpu.memref_slice %arg3[%dma_wait3A_112, %dma_wait3A_113] : memref<100000x128xf32, #tpu.memory_space<hbm>> -> memref<100000x128xf32, #tpu.memory_space<hbm>>
      tpu.wait_indirect_dma semaphore(%arg13 : memref<!tpu.dma_semaphore, #tpu.memory_space<semaphore_mem>>) src(%dma_wait3A_114 : memref<100000x128xf32, #tpu.memory_space<hbm>>) dst(%arg8 : memref<128x128xf32, #tpu.memory_space<vmem>>)
      %mul3A_115 = arith.constant 128 : i32
      %mul3A_116 = arith.muli %add3A_101, %mul3A_115 : i32
      %add3A_117 = arith.addi %mul3A_2, %mul3A_116 : i32
      %dma_start3A_118 = arith.constant 0 : i32
      %dma_start3A_119 = tpu.memref_slice %arg4[%add3A_117, %dma_start3A_118] : memref<204800x128xf32, #tpu.memory_space<hbm>> -> memref<128x128xf32, #tpu.memory_space<hbm>>
      %dma_start3A_120 = arith.constant 0 : i32
      %dma_start3A_121 = tpu.memref_slice %arg4[%add3A_117, %dma_start3A_120] : memref<204800x128xf32, #tpu.memory_space<hbm>> -> memref<128x128xf32, #tpu.memory_space<hbm>>
      tpu.enqueue_dma source(%arg8 : memref<128x128xf32, #tpu.memory_space<vmem>>) target(%dma_start3A_121 : memref<128x128xf32, #tpu.memory_space<hbm>>) target_semaphore(%arg18 : memref<!tpu.dma_semaphore, #tpu.memory_space<semaphore_mem>>)
      %mul3A_122 = arith.constant 5 : i32
      %mul3A_123 = arith.muli %scan3A_51, %mul3A_122 : i32
      %add3A_124 = arith.constant 3 : i32
      %add3A_125 = arith.addi %mul3A_123, %add3A_124 : i32
      %add3A_126 = arith.constant 2 : i32
      %add3A_127 = arith.addi %add3A_125, %add3A_126 : i32
      %lt3A_128 = arith.constant 50 : i32
      %lt3A_129 = arith.cmpi slt, %add3A_127, %lt3A_128 : i32
      %convert_element_type3A_130 = arith.extui %lt3A_129 : i1 to i32
      %cond3A_131 = arith.constant 0 : i32
      %cond3A_132 = arith.cmpi ne, %convert_element_type3A_130, %cond3A_131 : i32
      scf.if %cond3A_132 {
        %ge3A = arith.constant 3 : i32
        %ge3A_171 = arith.cmpi sge, %add3A_125, %ge3A : i32
        %convert_element_type3A_172 = arith.extui %ge3A_171 : i1 to i32
        %cond3A_173 = arith.constant 0 : i32
        %cond3A_174 = arith.cmpi ne, %convert_element_type3A_172, %cond3A_173 : i32
        scf.if %cond3A_174 {
          %sub3A = arith.constant 3 : i32
          %sub3A_183 = arith.subi %add3A_125, %sub3A : i32
          %mul3A_184 = arith.constant 128 : i32
          %mul3A_185 = arith.muli %sub3A_183, %mul3A_184 : i32
          %add3A_186 = arith.addi %mul3A_2, %mul3A_185 : i32
          %dma_wait3A_187 = arith.constant 0 : i32
          %dma_wait3A_188 = tpu.memref_slice %arg4[%add3A_186, %dma_wait3A_187] : memref<204800x128xf32, #tpu.memory_space<hbm>> -> memref<128x128xf32, #tpu.memory_space<hbm>>
          %dma_wait3A_189 = arith.constant 0 : i32
          %dma_wait3A_190 = tpu.memref_slice %arg4[%add3A_186, %dma_wait3A_189] : memref<204800x128xf32, #tpu.memory_space<hbm>> -> memref<128x128xf32, #tpu.memory_space<hbm>>
          tpu.wait_dma2 semaphore(%arg16 : memref<!tpu.dma_semaphore, #tpu.memory_space<semaphore_mem>>) src(%arg6 : memref<128x128xf32, #tpu.memory_space<vmem>>) dst(%dma_wait3A_190 : memref<128x128xf32, #tpu.memory_space<hbm>>)
        } else {
        }
        %add3A_175 = arith.constant 2 : i32
        %add3A_176 = arith.addi %add3A_125, %add3A_175 : i32
        %dma_start3A_177 = arith.constant 0 : i32
        %dma_start3A_178 = tpu.memref_slice %arg5[%add3A_176, %dma_start3A_177] : memref<50x128xi32, #tpu.memory_space<vmem>> -> memref<1x128xi32, #tpu.memory_space<vmem>>
        %dma_start3A_179 = tpu.memref_squeeze %dma_start3A_178 : memref<1x128xi32, #tpu.memory_space<vmem>> -> memref<128xi32, #tpu.memory_space<vmem>>
        %dma_start3A_180 = arith.constant 0 : i32
        %dma_start3A_181 = arith.constant 0 : i32
        %dma_start3A_182 = tpu.memref_slice %arg3[%dma_start3A_180, %dma_start3A_181] : memref<100000x128xf32, #tpu.memory_space<hbm>> -> memref<100000x128xf32, #tpu.memory_space<hbm>>
        tpu.enqueue_indirect_dma source(%dma_start3A_182 : memref<100000x128xf32, #tpu.memory_space<hbm>>) target(%arg6 : memref<128x128xf32, #tpu.memory_space<vmem>>) offsets(%dma_start3A_179 : memref<128xi32, #tpu.memory_space<vmem>>) semaphore(%arg11 : memref<!tpu.dma_semaphore, #tpu.memory_space<semaphore_mem>>)
      } else {
      }
      %dma_wait3A_133 = arith.constant 0 : i32
      %dma_wait3A_134 = tpu.memref_slice %arg5[%add3A_125, %dma_wait3A_133] : memref<50x128xi32, #tpu.memory_space<vmem>> -> memref<1x128xi32, #tpu.memory_space<vmem>>
      %dma_wait3A_135 = tpu.memref_squeeze %dma_wait3A_134 : memref<1x128xi32, #tpu.memory_space<vmem>> -> memref<128xi32, #tpu.memory_space<vmem>>
      %dma_wait3A_136 = arith.constant 0 : i32
      %dma_wait3A_137 = arith.constant 0 : i32
      %dma_wait3A_138 = tpu.memref_slice %arg3[%dma_wait3A_136, %dma_wait3A_137] : memref<100000x128xf32, #tpu.memory_space<hbm>> -> memref<100000x128xf32, #tpu.memory_space<hbm>>
      tpu.wait_indirect_dma semaphore(%arg14 : memref<!tpu.dma_semaphore, #tpu.memory_space<semaphore_mem>>) src(%dma_wait3A_138 : memref<100000x128xf32, #tpu.memory_space<hbm>>) dst(%arg9 : memref<128x128xf32, #tpu.memory_space<vmem>>)
      %mul3A_139 = arith.constant 128 : i32
      %mul3A_140 = arith.muli %add3A_125, %mul3A_139 : i32
      %add3A_141 = arith.addi %mul3A_2, %mul3A_140 : i32
      %dma_start3A_142 = arith.constant 0 : i32
      %dma_start3A_143 = tpu.memref_slice %arg4[%add3A_141, %dma_start3A_142] : memref<204800x128xf32, #tpu.memory_space<hbm>> -> memref<128x128xf32, #tpu.memory_space<hbm>>
      %dma_start3A_144 = arith.constant 0 : i32
      %dma_start3A_145 = tpu.memref_slice %arg4[%add3A_141, %dma_start3A_144] : memref<204800x128xf32, #tpu.memory_space<hbm>> -> memref<128x128xf32, #tpu.memory_space<hbm>>
      tpu.enqueue_dma source(%arg9 : memref<128x128xf32, #tpu.memory_space<vmem>>) target(%dma_start3A_145 : memref<128x128xf32, #tpu.memory_space<hbm>>) target_semaphore(%arg19 : memref<!tpu.dma_semaphore, #tpu.memory_space<semaphore_mem>>)
      %mul3A_146 = arith.constant 5 : i32
      %mul3A_147 = arith.muli %scan3A_51, %mul3A_146 : i32
      %add3A_148 = arith.constant 4 : i32
      %add3A_149 = arith.addi %mul3A_147, %add3A_148 : i32
      %add3A_150 = arith.constant 2 : i32
      %add3A_151 = arith.addi %add3A_149, %add3A_150 : i32
      %lt3A_152 = arith.constant 50 : i32
      %lt3A_153 = arith.cmpi slt, %add3A_151, %lt3A_152 : i32
      %convert_element_type3A_154 = arith.extui %lt3A_153 : i1 to i32
      %cond3A_155 = arith.constant 0 : i32
      %cond3A_156 = arith.cmpi ne, %convert_element_type3A_154, %cond3A_155 : i32
      scf.if %cond3A_156 {
        %ge3A = arith.constant 3 : i32
        %ge3A_171 = arith.cmpi sge, %add3A_149, %ge3A : i32
        %convert_element_type3A_172 = arith.extui %ge3A_171 : i1 to i32
        %cond3A_173 = arith.constant 0 : i32
        %cond3A_174 = arith.cmpi ne, %convert_element_type3A_172, %cond3A_173 : i32
        scf.if %cond3A_174 {
          %sub3A = arith.constant 3 : i32
          %sub3A_183 = arith.subi %add3A_149, %sub3A : i32
          %mul3A_184 = arith.constant 128 : i32
          %mul3A_185 = arith.muli %sub3A_183, %mul3A_184 : i32
          %add3A_186 = arith.addi %mul3A_2, %mul3A_185 : i32
          %dma_wait3A_187 = arith.constant 0 : i32
          %dma_wait3A_188 = tpu.memref_slice %arg4[%add3A_186, %dma_wait3A_187] : memref<204800x128xf32, #tpu.memory_space<hbm>> -> memref<128x128xf32, #tpu.memory_space<hbm>>
          %dma_wait3A_189 = arith.constant 0 : i32
          %dma_wait3A_190 = tpu.memref_slice %arg4[%add3A_186, %dma_wait3A_189] : memref<204800x128xf32, #tpu.memory_space<hbm>> -> memref<128x128xf32, #tpu.memory_space<hbm>>
          tpu.wait_dma2 semaphore(%arg17 : memref<!tpu.dma_semaphore, #tpu.memory_space<semaphore_mem>>) src(%arg7 : memref<128x128xf32, #tpu.memory_space<vmem>>) dst(%dma_wait3A_190 : memref<128x128xf32, #tpu.memory_space<hbm>>)
        } else {
        }
        %add3A_175 = arith.constant 2 : i32
        %add3A_176 = arith.addi %add3A_149, %add3A_175 : i32
        %dma_start3A_177 = arith.constant 0 : i32
        %dma_start3A_178 = tpu.memref_slice %arg5[%add3A_176, %dma_start3A_177] : memref<50x128xi32, #tpu.memory_space<vmem>> -> memref<1x128xi32, #tpu.memory_space<vmem>>
        %dma_start3A_179 = tpu.memref_squeeze %dma_start3A_178 : memref<1x128xi32, #tpu.memory_space<vmem>> -> memref<128xi32, #tpu.memory_space<vmem>>
        %dma_start3A_180 = arith.constant 0 : i32
        %dma_start3A_181 = arith.constant 0 : i32
        %dma_start3A_182 = tpu.memref_slice %arg3[%dma_start3A_180, %dma_start3A_181] : memref<100000x128xf32, #tpu.memory_space<hbm>> -> memref<100000x128xf32, #tpu.memory_space<hbm>>
        tpu.enqueue_indirect_dma source(%dma_start3A_182 : memref<100000x128xf32, #tpu.memory_space<hbm>>) target(%arg7 : memref<128x128xf32, #tpu.memory_space<vmem>>) offsets(%dma_start3A_179 : memref<128xi32, #tpu.memory_space<vmem>>) semaphore(%arg12 : memref<!tpu.dma_semaphore, #tpu.memory_space<semaphore_mem>>)
      } else {
      }
      %dma_wait3A_157 = arith.constant 0 : i32
      %dma_wait3A_158 = tpu.memref_slice %arg5[%add3A_149, %dma_wait3A_157] : memref<50x128xi32, #tpu.memory_space<vmem>> -> memref<1x128xi32, #tpu.memory_space<vmem>>
      %dma_wait3A_159 = tpu.memref_squeeze %dma_wait3A_158 : memref<1x128xi32, #tpu.memory_space<vmem>> -> memref<128xi32, #tpu.memory_space<vmem>>
      %dma_wait3A_160 = arith.constant 0 : i32
      %dma_wait3A_161 = arith.constant 0 : i32
      %dma_wait3A_162 = tpu.memref_slice %arg3[%dma_wait3A_160, %dma_wait3A_161] : memref<100000x128xf32, #tpu.memory_space<hbm>> -> memref<100000x128xf32, #tpu.memory_space<hbm>>
      tpu.wait_indirect_dma semaphore(%arg15 : memref<!tpu.dma_semaphore, #tpu.memory_space<semaphore_mem>>) src(%dma_wait3A_162 : memref<100000x128xf32, #tpu.memory_space<hbm>>) dst(%arg10 : memref<128x128xf32, #tpu.memory_space<vmem>>)
      %mul3A_163 = arith.constant 128 : i32
      %mul3A_164 = arith.muli %add3A_149, %mul3A_163 : i32
      %add3A_165 = arith.addi %mul3A_2, %mul3A_164 : i32
      %dma_start3A_166 = arith.constant 0 : i32
      %dma_start3A_167 = tpu.memref_slice %arg4[%add3A_165, %dma_start3A_166] : memref<204800x128xf32, #tpu.memory_space<hbm>> -> memref<128x128xf32, #tpu.memory_space<hbm>>
      %dma_start3A_168 = arith.constant 0 : i32
      %dma_start3A_169 = tpu.memref_slice %arg4[%add3A_165, %dma_start3A_168] : memref<204800x128xf32, #tpu.memory_space<hbm>> -> memref<128x128xf32, #tpu.memory_space<hbm>>
      tpu.enqueue_dma source(%arg10 : memref<128x128xf32, #tpu.memory_space<vmem>>) target(%dma_start3A_169 : memref<128x128xf32, #tpu.memory_space<hbm>>) target_semaphore(%arg20 : memref<!tpu.dma_semaphore, #tpu.memory_space<semaphore_mem>>)
      %scan3A_170 = arith.constant 0 : i32
      scf.yield %scan3A_170 : i32
    }
    %scan3A_21 = arith.constant 10 : i32
    %add3A_22 = arith.constant 5760 : i32
    %add3A_23 = arith.addi %mul3A_2, %add3A_22 : i32
    %dma_wait3A = arith.constant 0 : i32
    %dma_wait3A_24 = tpu.memref_slice %arg4[%add3A_23, %dma_wait3A] : memref<204800x128xf32, #tpu.memory_space<hbm>> -> memref<128x128xf32, #tpu.memory_space<hbm>>
    %dma_wait3A_25 = arith.constant 0 : i32
    %dma_wait3A_26 = tpu.memref_slice %arg4[%add3A_23, %dma_wait3A_25] : memref<204800x128xf32, #tpu.memory_space<hbm>> -> memref<128x128xf32, #tpu.memory_space<hbm>>
    tpu.wait_dma2 semaphore(%arg16 : memref<!tpu.dma_semaphore, #tpu.memory_space<semaphore_mem>>) src(%arg6 : memref<128x128xf32, #tpu.memory_space<vmem>>) dst(%dma_wait3A_26 : memref<128x128xf32, #tpu.memory_space<hbm>>)
    %add3A_27 = arith.constant 5888 : i32
    %add3A_28 = arith.addi %mul3A_2, %add3A_27 : i32
    %dma_wait3A_29 = arith.constant 0 : i32
    %dma_wait3A_30 = tpu.memref_slice %arg4[%add3A_28, %dma_wait3A_29] : memref<204800x128xf32, #tpu.memory_space<hbm>> -> memref<128x128xf32, #tpu.memory_space<hbm>>
    %dma_wait3A_31 = arith.constant 0 : i32
    %dma_wait3A_32 = tpu.memref_slice %arg4[%add3A_28, %dma_wait3A_31] : memref<204800x128xf32, #tpu.memory_space<hbm>> -> memref<128x128xf32, #tpu.memory_space<hbm>>
    tpu.wait_dma2 semaphore(%arg17 : memref<!tpu.dma_semaphore, #tpu.memory_space<semaphore_mem>>) src(%arg7 : memref<128x128xf32, #tpu.memory_space<vmem>>) dst(%dma_wait3A_32 : memref<128x128xf32, #tpu.memory_space<hbm>>)
    %add3A_33 = arith.constant 6016 : i32
    %add3A_34 = arith.addi %mul3A_2, %add3A_33 : i32
    %dma_wait3A_35 = arith.constant 0 : i32
    %dma_wait3A_36 = tpu.memref_slice %arg4[%add3A_34, %dma_wait3A_35] : memref<204800x128xf32, #tpu.memory_space<hbm>> -> memref<128x128xf32, #tpu.memory_space<hbm>>
    %dma_wait3A_37 = arith.constant 0 : i32
    %dma_wait3A_38 = tpu.memref_slice %arg4[%add3A_34, %dma_wait3A_37] : memref<204800x128xf32, #tpu.memory_space<hbm>> -> memref<128x128xf32, #tpu.memory_space<hbm>>
    tpu.wait_dma2 semaphore(%arg18 : memref<!tpu.dma_semaphore, #tpu.memory_space<semaphore_mem>>) src(%arg8 : memref<128x128xf32, #tpu.memory_space<vmem>>) dst(%dma_wait3A_38 : memref<128x128xf32, #tpu.memory_space<hbm>>)
    %add3A_39 = arith.constant 6144 : i32
    %add3A_40 = arith.addi %mul3A_2, %add3A_39 : i32
    %dma_wait3A_41 = arith.constant 0 : i32
    %dma_wait3A_42 = tpu.memref_slice %arg4[%add3A_40, %dma_wait3A_41] : memref<204800x128xf32, #tpu.memory_space<hbm>> -> memref<128x128xf32, #tpu.memory_space<hbm>>
    %dma_wait3A_43 = arith.constant 0 : i32
    %dma_wait3A_44 = tpu.memref_slice %arg4[%add3A_40, %dma_wait3A_43] : memref<204800x128xf32, #tpu.memory_space<hbm>> -> memref<128x128xf32, #tpu.memory_space<hbm>>
    tpu.wait_dma2 semaphore(%arg19 : memref<!tpu.dma_semaphore, #tpu.memory_space<semaphore_mem>>) src(%arg9 : memref<128x128xf32, #tpu.memory_space<vmem>>) dst(%dma_wait3A_44 : memref<128x128xf32, #tpu.memory_space<hbm>>)
    %add3A_45 = arith.constant 6272 : i32
    %add3A_46 = arith.addi %mul3A_2, %add3A_45 : i32
    %dma_wait3A_47 = arith.constant 0 : i32
    %dma_wait3A_48 = tpu.memref_slice %arg4[%add3A_46, %dma_wait3A_47] : memref<204800x128xf32, #tpu.memory_space<hbm>> -> memref<128x128xf32, #tpu.memory_space<hbm>>
    %dma_wait3A_49 = arith.constant 0 : i32
    %dma_wait3A_50 = tpu.memref_slice %arg4[%add3A_46, %dma_wait3A_49] : memref<204800x128xf32, #tpu.memory_space<hbm>> -> memref<128x128xf32, #tpu.memory_space<hbm>>
    tpu.wait_dma2 semaphore(%arg20 : memref<!tpu.dma_semaphore, #tpu.memory_space<semaphore_mem>>) src(%arg10 : memref<128x128xf32, #tpu.memory_space<vmem>>) dst(%dma_wait3A_50 : memref<128x128xf32, #tpu.memory_space<hbm>>)
    return
  }
}

module attributes {stable_mosaic.version = 14 : i64} {
  func.func @_copy_body(%arg0: i32, %arg1: memref<10000x128xf32, #tpu.memory_space<vmem>>, %arg2: memref<10000x128xf32, #tpu.memory_space<vmem>>) attributes {dimension_semantics = [#tpu.dimension_semantics<arbitrary>], iteration_bounds = array<i64: 10>, scalar_prefetch = 0 : i64, scratch_operands = 0 : i64, tpu.core_type = #tpu.core_type<tc>, window_params = [{transform_indices = @transform_0, window_bounds = array<i64: 10000, 128>}, {transform_indices = @transform_1, window_bounds = array<i64: 10000, 128>}]} {
    %get3A = arith.constant 0 : index
    %get3A_0 = arith.constant 0 : index
    %get3A_1 = vector.load %arg1[%get3A, %get3A_0] : memref<10000x128xf32, #tpu.memory_space<vmem>>, vector<10000x128xf32>
    %swap3A = arith.constant 0 : index
    %swap3A_2 = arith.constant 0 : index
    %swap3A_3 = vector.load %arg2[%swap3A, %swap3A_2] : memref<10000x128xf32, #tpu.memory_space<vmem>>, vector<10000x128xf32>
    tpu.vector_store %arg2[%swap3A, %swap3A_2], %get3A_1 {strides = array<i32>} : memref<10000x128xf32, #tpu.memory_space<vmem>>, vector<10000x128xf32>,
    return
  }
  func.func @transform_0(%arg0: i32) -> (i32, i32) {
    %c0_i32 = arith.constant 0 : i32
    %c0_i32_0 = arith.constant 0 : i32
    return %arg0, %c0_i32 : i32, i32
  }
  func.func @transform_1(%arg0: i32) -> (i32, i32) {
    %c0_i32 = arith.constant 0 : i32
    %c0_i32_0 = arith.constant 0 : i32
    return %arg0, %c0_i32 : i32, i32
  }
}

</mosaic_0001>

<sc_bundles>
// kernel: kernel.4.cloned.1.call-start
scs
__scs_entry_jumppad:
0x0: {  	(pc) =	sbr.rel $0x88, $3  }
0x1: {  	(tag) =	ssettag $0x0;
	lr =	simm.s32 $0x1  }
0x2: {  	[smem:$0x3F9F] =	sst lr;
	_ =	strace $0xD0000000  }
0x3: {  	_ = 	snop  }
0x4: {  	_ = 	snop  }
0x5: {  	_ = 	snop  }
0x6: {  	_ = 	snop  }
0x7: {  	_ = 	snop  }
__scs_overlays_trampoline_lowered:
0x8: {  	[smem:$0x3FAE] =	sst s0  }
0x9: {  	[smem:$0x3FAF] =	sst s1  }
0xa: {  	[smem:$0x3FB0] =	sst s2  }
0xb: {  	[smem:$0x3FB1] =	sst s3  }
0xc: {  	[smem:$0x3FB2] =	sst s4  }
0xd: {  	[smem:$0x3FB3] =	sst s5  }
0xe: {  	[smem:$0x3FB4] =	sst s6  }
0xf: {  	[smem:$0x3FB5] =	sst s7  }
0x10: {  	[smem:$0x3FB6] =	sst s8  }
0x11: {  	[smem:$0x3FB7] =	sst s9;
	s0 =	simm.s32 @!p0 $0x0  }
0x12: {  	s1 =	sld [smem:$0x3F9D];
	s0 =	simm.s32 @p0 $0x1  }
0x13: {  	[smem:$0x3FB8] =	sst s0;
	s0 =	simm.s32 @!p1 $0x0  }
0x14: {  	s2 =	sld [smem:$0x3F9C];
	s0 =	simm.s32 @p1 $0x1  }
0x15: {  	[smem:$0x3FB9] =	sst s0;
	s0 =	simm.s32 @!p2 $0x0  }
0x16: {  	s3 =	sld [smem:$0x3FDB];
	s0 =	simm.s32 @p2 $0x1  }
0x17: {  	s4 =	simm.s32 $0x1BF5;
	[smem:$0x3FBB] =	sst s0  }
0x18: {  	s0 =	sld [smem:$0x3F9E];
	_ =	swait.ge [sflag:s4], $0x0  }
0x19: {  	s7 =	sld [smem:$0x3F9F]  }
0x1a: {  	s8 =	sadd.s32 $0xFFFFE003, lr  }
0x1b: {  	s9 =	sadd.s32 $0xFFFFFEF7, lr;
	s5 =	simm.s32 $0xFFFFFFFF;
	p2 =	slt.u32 s8, $0xFFFFF086  }
0x1c: {  	p1 =	slt.u32 s9, $0xF7A;
	s5 =	simm.s32 @!p2 $0x0  }
0x1d: {  	s5 =	simm.s32 @p1 $0x1;
	p0 =	seq.s32 s7, s2  }
0x1e: {  	s7 =	smul.u32 @!p0 $0xF7A, s2;
	p2 =	seq.s32 @!p0 s5, $0x0  }
0x1f: {  	s9 =	smul.u32 $0xF7A, s1;
	s8 =	simm.s32 @!p0 $0x1BF5;
	p2 =	por !p2, p0  }
0x20: {  	[sflag:s8] =	ssyncset.s32 @!p0 $0xFFFFF086;
	s6 =	sadd.s32 @!p0 s3, s7;
	s7 =	simm.s32 @!p0 $0x108  }
0x21: {  	s3 =	sadd.s32 s3, s9;
	s6 =	sadd.s32 @!p0 $0x88, s6;
	s7 =	simm.s32 @p2 $0x1082  }
0x22: {  	[simem:s7], [sflag:s8] =	dma.local @!p0 [hbm:s6], $0xF7A  }
0x23: {  	s9 =	sor.u32 $0xD0000000, s2;
	s6 =	simm.s32 $0x108;
	_ =	swait.ge @!p0 [sflag:s8], $0x0  }
0x24: {  	s3 =	sadd.s32 $0x88, s3;
	s6 =	simm.s32 @!p1 $0x1082;
	[sflag:s4] =	ssyncset.s32 $0xFFFFF086  }
0x25: {  	[simem:s6], [sflag:s4] =	dma.local [hbm:s3], $0xF7A  }
0x26: {  	[smem:$0x3F9F] =	sst s1;
	(tag) =	ssettag s2;
	_ =	strace s9  }
0x27: {  	s1 =	sld [smem:$0x3FAF]  }
0x28: {  	s2 =	sld [smem:$0x3FB0]  }
0x29: {  	s4 =	sld [smem:$0x3FB2]  }
0x2a: {  	p0 =	seq.s32 s5, $0x0;
	s5 =	sld [smem:$0x3FB3]  }
0x2b: {  	s6 =	sld [smem:$0x3FB4]  }
0x2c: {  	s7 =	sld [smem:$0x3FB5]  }
0x2d: {  	s3 =	simm.s32 $0x108;
	s8 =	sld [smem:$0x3FB6]  }
0x2e: {  	s3 =	simm.s32 @!p0 $0x1082;
	s9 =	sld [smem:$0x3FB7]  }
0x2f: {  	lr =	sadd.s32 s0, s3;
	s0 =	sld [smem:$0x3FAE]  }
0x30: {  	s3 =	sld [smem:$0x3FB1]  }
0x31: {  	[smem:$0x3FBA] =	sst s10  }
0x32: {  	s10 =	sld [smem:$0x3FB8];
	_ =	sdelay $0x3  }
0x33: {  	p0 =	seq.s32 s10, $0x1;
	s10 =	sld [smem:$0x3FBA];
	_ =	sdelay $0x3  }
0x34: {  	[smem:$0x3FBA] =	sst s10  }
0x35: {  	s10 =	sld [smem:$0x3FB9];
	_ =	sdelay $0x3  }
0x36: {  	p1 =	seq.s32 s10, $0x1;
	s10 =	sld [smem:$0x3FBA];
	_ =	sdelay $0x3  }
0x37: {  	[smem:$0x3FBA] =	sst s10  }
0x38: {  	s10 =	sld [smem:$0x3FBB]  }
0x39: {  	_ = 	snop;
	(pc) =	sbr.ind lr, $3  }
0x3a: {  	_ = 	snop  }
0x3b: {  	_ = 	snop  }
0x3c: {  	p2 =	seq.s32 s10, $0x1;
	s10 =	sld [smem:$0x3FBA]  }
0x3d: {  	_ =	shalt  }
0x3e: {  	_ =	shalt  }
0x3f: {  	_ =	shalt  }
0x40: {  	_ =	shalt  }
0x41: {  	_ =	shalt  }
0x42: {  	_ =	shalt  }
0x43: {  	_ =	shalt  }
0x44: {  	_ =	shalt  }
0x45: {  	_ =	shalt  }
0x46: {  	_ =	shalt  }
0x47: {  	_ =	shalt  }
0x48: {  	_ =	shalt  }
0x49: {  	_ =	shalt  }
0x4a: {  	_ =	shalt  }
0x4b: {  	_ =	shalt  }
0x4c: {  	_ =	shalt  }
0x4d: {  	_ =	shalt  }
0x4e: {  	_ =	shalt  }
0x4f: {  	_ =	shalt  }
0x50: {  	_ =	shalt  }
0x51: {  	_ =	shalt  }
0x52: {  	_ =	shalt  }
0x53: {  	_ =	shalt  }
0x54: {  	_ =	shalt  }
0x55: {  	_ =	shalt  }
0x56: {  	_ =	shalt  }
0x57: {  	_ =	shalt  }
0x58: {  	_ =	shalt  }
0x59: {  	_ =	shalt  }
0x5a: {  	_ =	shalt  }
0x5b: {  	_ =	shalt  }
0x5c: {  	_ =	shalt  }
0x5d: {  	_ =	shalt  }
0x5e: {  	_ =	shalt  }
0x5f: {  	_ =	shalt  }
0x60: {  	_ =	shalt  }
0x61: {  	_ =	shalt  }
0x62: {  	_ =	shalt  }
0x63: {  	_ =	shalt  }
0x64: {  	_ =	shalt  }
0x65: {  	_ =	shalt  }
0x66: {  	_ =	shalt  }
0x67: {  	_ =	shalt  }
0x68: {  	_ =	shalt  }
0x69: {  	_ =	shalt  }
0x6a: {  	_ =	shalt  }
0x6b: {  	_ =	shalt  }
0x6c: {  	_ =	shalt  }
0x6d: {  	_ =	shalt  }
0x6e: {  	_ =	shalt  }
0x6f: {  	_ =	shalt  }
0x70: {  	_ =	shalt  }
0x71: {  	_ =	shalt  }
0x72: {  	_ =	shalt  }
0x73: {  	_ =	shalt  }
0x74: {  	_ =	shalt  }
0x75: {  	_ =	shalt  }
0x76: {  	_ =	shalt  }
0x77: {  	_ =	shalt  }
0x78: {  	_ =	shalt  }
0x79: {  	_ =	shalt  }
0x7a: {  	_ =	shalt  }
0x7b: {  	_ =	shalt  }
0x7c: {  	_ =	shalt  }
0x7d: {  	_ =	shalt  }
0x7e: {  	_ =	shalt  }
0x7f: {  	_ =	shalt  }
0x80: {  	_ =	shalt  }
0x81: {  	_ =	shalt  }
0x82: {  	_ =	shalt  }
0x83: {  	_ =	shalt  }
0x84: {  	_ =	shalt  }
0x85: {  	_ =	shalt  }
0x86: {  	_ =	shalt  }
0x87: {  	_ =	shalt  }
.Lfunc_end0:
.L_simem_size_0:
called_computation_lowered:
.L_overlay_start_0:
0x88: {  	s2 =	sld [smem:$0x3FD9]  }
0x89: {  	s3 =	sld [smem:$0x3FFE];
	_ =	sdelay $0x1  }
0x8a: {  	s1 =	srdreg.scid  }
0x8b: {  	s0 =	sand.u32 $0x1, s1  }
0x8c: {  	s14 =	sshll.u32 s0, $0xA;
	s2 =	sadd.s32 s3, s2  }
0x8d: {  	s2 =	sadd.s32 s2, s14  }
0x8e: {  	[smem:$0x3FC6] =	sst s2  }
0x8f: {  	_ = 	snop  }
0x90: {  	s2 =	sld [smem:$0x3FD0];
	_ =	sdelay $0x2  }
0x91: {  	s4 =	simm.s32 $0xA;
	s5 =	simm.s32 $0x10;
	s15 =	sld [smem:$0x3FC8]  }
0x92: {  	[smem:s5], [sflag:s4] =	dma.local [hbm:s2], $0x1  }
0x93: {  	_ =	swait.eq [sflag:s4], $0x1  }
0x94: {  	[sflag:s4] =	ssyncset.done $0x0  }
0x95: {  	[sflag:s4] =	ssyncadd.s32 $0xFFFFFFFF  }
0x96: {  	s16 =	sld [smem:$0x10];
	(tm) =	ssettm $0x1  }
0x97: {  	s17 =	sld [smem:$0x3FFB];
	_ =	sdelay $0x3  }
0x98: {  	_ =	strace s17  }
0x99: {  	s4 =	sld [smem:$0x3FFC];
	_ =	sdelay $0x3  }
0x9a: {  	_ =	strace s4  }
0x9b: {  	s4 =	sld [smem:$0x3FFD];
	_ =	sdelay $0x3  }
0x9c: {  	_ =	strace s4  }
0x9d: {  	_ =	strace $0x8FFFFFFF  }
0x9e: {  	s18 =	sld [smem:$0x3FDB];
	_ =	sdelay $0x1  }
0x9f: {  	s19 =	simm.s32 $_scs_section_size  }
0xa0: {  	s6 =	simm.s32 $_size__tile_overlayer_lowered;
	s7 =	simm.s32 $_tile_overlayer_lowered  }
0xa1: {  	s22 =	simm.s32 $0x1BFF;
	s21 =	sshll.u32 s7, $0x1;
	s4 =	sadd.s32 s19, s18  }
0xa2: {  	s8 =	simm.s32 $0x0;
	s20 =	sshll.u32 s6, $0x1;
	s6 =	sadd.s32 s21, s4  }
0xa3: {  	[timem:s8], [sflag:s22] =	dma.local [hbm:s6], s20  }
0xa4: {  	_ =	swait.ge [sflag:s22], s20  }
0xa5: {  	s5 =	ssub.s32 $0x0, s20;
	[sflag:s22] =	ssyncset.done $0x0  }
0xa6: {  	[sflag:s22] =	ssyncadd.s32 s5;
	_ =	sdelay $0x1  }
0xa7: {  	s23 =	simm.s32 $0x1B8B  }
0xa8: {  	_ =	swait.ge [sflag:s23], $0x1  }
0xa9: {  	[sflag:s23] =	ssyncset.done $0x0  }
0xaa: {  	s25 =	simm.s32 $0x1B8E;
	s24 =	sld [smem:$0x3FFE];
	[sflag:s23] =	ssyncadd.s32 $0xFFFFFFFF  }
0xab: {  	s26 =	simm.s32 $execute0_lowered;
	[smem:$0x3FD2] =	sst s25  }
0xac: {  	s6 =	sshll.u32 s26, $0x1;
	_ =	strace $0x80000046;
	[dreg:$0x1] =	wrdreg $0xFFFFFFFF  }
0xad: {  	s28 =	simm.s32 $_size_execute0_lowered;
	s4 =	sadd.s32 s4, s6;
	[dreg:$0x0] =	wrdreg $0x0  }
0xae: {  	s6 =	sshll.u32 s28, $0x1;
	[dreg:$0x2] =	wrdreg s4  }
0xaf: {  	[dreg:$0x3] =	wrdreg s6  }
0xb0: {  	[dreg:$0x4] =	wrdreg $0xC0  }
0xb1: {  	_ =	task [dreg:s8], $0x5FFFF  }
0xb2: {  	[dreg:$0x1] =	wrdreg $0xFFFFFFFF  }
0xb3: {  	[dreg:$0x0] =	wrdreg $0x60  }
0xb4: {  	[dreg:$0x2] =	wrdreg s24  }
0xb5: {  	[dreg:$0x3] =	wrdreg s15  }
0xb6: {  	[dreg:$0x4] =	wrdreg s16  }
0xb7: {  	[dreg:$0x5] =	wrdreg $0x9  }
0xb8: {  	_ =	task.clear_ibuf [dreg:s8], $0x6FFFF;
	_ =	strace $0x90000046  }
0xb9: {  	s29 =	simm.s32 $0x9;
	_ =	strace $0x80000048  }
0xba: {  	_ =	swait.ge [sflag:s29], $0x1  }
0xbb: {  	[sflag:s29] =	ssyncadd.s32 $0xFFFFFFFF  }
0xbc: {  	_ =	strace $0x90000048  }
0xbd: {  	_ =	sfence  }
0xbe: {  	s30 =	sld [smem:$0x0];
	_ =	sdelay $0x2  }
0xbf: {  	s31 =	sshll.u32 s1, $0xD;
	s1 =	sshrl.u32 s1, $0x2  }
0xc0: {  	s3 =	sand.u32 $0x4000, s31;
	s1 =	sadd.s32 s1, s30  }
0xc1: {  	s0 =	sor.u32 s3, s0;
	s1 =	sshll.u32 s1, $0x11  }
0xc2: {  	s0 =	sor.u32 s1, s0  }
0xc3: {  	s0 =	sadd.s32 $0x8F2B, s0  }
0xc4: {  	[sflag:s0] =	ssyncadd.remote.s32 $0x1  }
0xc5: {  	_ =	sfence.sel $0xFFFF  }
0xc6: {  	[dreg:$0x0] =	wrdreg $0xFFFFFFFF;
	(pc) =	sbr.abs _section_cstart, $3  }
0xc7: {  	[dreg:$0x1] =	wrdreg $0xFFFFFFFF  }
0xc8: {  	_ =	task.clear_ibuf [dreg:s8], $0x2FFFF;
	_ =	strace $0x9FFFFFFF  }
0xc9: {  	(tm) =	ssettm $0x7FFFFFFF  }
tec
execute0_lowered:
.L_overlay_start_1:
0x0: {  	(tag) =	ssettag $0x1  }
0x1: {  	s1 =	rddreg [dreg:$0x0]  }
0x2: {  	s0 =	srdreg.scid;
	s2 =	rddreg [dreg:$0x1]  }
0x3: {  	s9 =	stileid.u32;
	s4 =	rddreg [dreg:$0x2]  }
0x4: {  	s12 =	simm.s32 $0x80;
	s13 =	simm.s32 $0x1C00;
	s14 =	simm.s32 $0x5C00  }
0x5: {  	s15 =	simm.s32 $0x9C00;
	s16 =	simm.s32 $0x1;
	s17 =	simm.s32 $0xDC00  }
0x6: {  	s18 =	simm.s32 $0x2;
	s19 =	simm.s32 $0x11C00;
	s6 =	smul.u32 $0x190000, s9  }
0x7: {  	s0 =	sand.u32 $0x1, s0;
	s3 =	sshll.u32 s9, $0x1;
	s9 =	smul.u32 $0x32000, s9  }
0x8: {  	s20 =	simm.s32 $0x3;
	s21 =	simm.s32 $0x4;
	s7 =	smul.u32 $0xC8000, s0  }
0x9: {  	s3 =	sor.u32 s0, s3;
	s23 =	ssub.s32 $0x2, s0;
	s0 =	smul.u32 $0x19000, s0  }
0xa: {  	s22 =	simm.s32 $0x5;
	s29 =	simm.s32 $0x0;
	s5 =	smul.u32 $0x380, s3  }
0xb: {  	s3 =	simm.s32 $0x0;
	s8 =	sshrl.u32 s23, $0x1;
	s24 =	sadd.s32 s9, s4  }
0xc: {  	[smem:$0x7FF] =	sst s3;
	s7 =	sadd.s32 s7, s6;
	s0 =	sadd.s32 s0, s24  }
0xd: {  	_ =	strace $0x80000047;
	s1 =	sadd.s32 s5, s1;
	s5 =	ssub.s32 s23, s8  }
0xe: {  	s6 =	sadd.s32 $0x10000, s7;
	[dreg:$0x6] =	wrdreg s0;
	s28 =	sadd.s32 $0xC000, s7  }
0xf: {  	s30 =	sadd.s32 $0x8000, s7;
	s31 =	sor.u32 $0x4000, s7;
	s1 =	sadd.s32 $0x400, s1  }
0x10: {  	s25 =	sshrl.u32 s6, $0x3;
	s5 =	smax.u32 s5, $0x1;
	[dreg:$0x4] =	wrdreg s1  }
0x11: {  	s0 =	sshrl.u32 s28, $0x3;
	[dreg:$0x5] =	wrdreg s5;
	s26 =	sadd.s32 s25, s4  }
0x12: {  	s1 =	sshrl.u32 s30, $0x3;
	s5 =	sshrl.u32 s31, $0x3;
	s8 =	sadd.s32 s0, s4  }
0x13: {  	[dreg:$0x7] =	wrdreg s26;
	s9 =	sadd.s32 s1, s4;
	s10 =	sadd.s32 s5, s4  }
.LBB2_1:
0x14: {  	s0 =	rddreg [dreg:$0x4];
	s25 =	simm.s32 $0xB  }
0x15: {  	[tilespmem:s3], [sflag:$0xB] =	stream.linear.gather [hbm4b:s0+s3], $0x1900, $0x38;
	[tilespmem:$0x15C00] =	vst v63  }
0x16: {  	_ =	swait.ge [sflag:s25], $0x1900  }
0x17: {  	[sflag:s25] =	ssyncset.done $0x0  }
0x18: {  	p0 =	por $0x1, $0x1;
	[sflag:s25] =	ssyncadd.s32 $0xFFFFE700  }
0x19: {  	[tilespmem:s13], [sflag:$0x1] =	stream.indirect.gather [hbm4b:s2+s12], $0x80, s3, s12, $0xb8;
	[tilespmem:$0x15C00] =	vst v63  }
0x1a: {  	s0 =	simm.s32 @!p0 $0x8  }
0x1b: {  	[tilespmem:s14], [sflag:$0x2] =	stream.indirect.gather [hbm4b:s2+s12], $0x80, s12, s12, $0xb8;
	[tilespmem:$0x15C00] =	vst v63  }
0x1c: {  	_ =	swait.ge @!p0 [sflag:s0], $0x4000  }
0x1d: {  	[sflag:s0] =	ssyncset.done @!p0 $0x0  }
0x1e: {  	s1 =	simm.s32 $0x100;
	[sflag:s0] =	ssyncadd.s32 @!p0 $0xFFFFC000  }
0x1f: {  	[tilespmem:s15], [sflag:$0x3] =	stream.indirect.gather [hbm4b:s2+s12], $0x80, s1, s12, $0xb8;
	[tilespmem:$0x15C00] =	vst v63  }
0x20: {  	_ =	swait.ge [sflag:s16], $0x4000  }
0x21: {  	[sflag:s16] =	ssyncset.done $0x0  }
0x22: {  	s0 =	simm.s32 @!p0 $0x9;
	s6 =	rddreg [dreg:$0x6];
	[sflag:s16] =	ssyncadd.s32 $0xFFFFC000  }
0x23: {  	[hbm4b:s6+s3] =	stream.linear.scatter [tilespmem:s13], [sflag:$0x6], $0x4000, $0x38;
	[tilespmem:$0x15C00] =	vst v63  }
0x24: {  	_ =	swait.ge @!p0 [sflag:s0], $0x4000  }
0x25: {  	[sflag:s0] =	ssyncset.done @!p0 $0x0  }
0x26: {  	s26 =	simm.s32 $0x180;
	[sflag:s0] =	ssyncadd.s32 @!p0 $0xFFFFC000  }
0x27: {  	[tilespmem:s17], [sflag:$0x4] =	stream.indirect.gather [hbm4b:s2+s12], $0x80, s26, s12, $0xb8;
	[tilespmem:$0x15C00] =	vst v63  }
0x28: {  	_ =	swait.ge [sflag:s18], $0x4000  }
0x29: {  	[sflag:s18] =	ssyncset.done $0x0  }
0x2a: {  	s0 =	simm.s32 @!p0 $0xA;
	[sflag:s18] =	ssyncadd.s32 $0xFFFFC000  }
0x2b: {  	[hbm4b:s10+s3] =	stream.linear.scatter [tilespmem:s14], [sflag:$0x7], $0x4000, $0x38;
	[tilespmem:$0x15C00] =	vst v63  }
0x2c: {  	_ =	swait.ge @!p0 [sflag:s0], $0x4000  }
0x2d: {  	[sflag:s0] =	ssyncset.done @!p0 $0x0  }
0x2e: {  	s28 =	simm.s32 $0x200;
	[sflag:s0] =	ssyncadd.s32 @!p0 $0xFFFFC000  }
0x2f: {  	[tilespmem:s19], [sflag:$0x5] =	stream.indirect.gather [hbm4b:s2+s12], $0x80, s28, s12, $0xb8;
	[tilespmem:$0x15C00] =	vst v63  }
0x30: {  	_ =	swait.ge [sflag:s20], $0x4000  }
0x31: {  	p0 =	por $0x0, $0x0;
	[sflag:s20] =	ssyncset.done $0x0  }
0x32: {  	s0 =	simm.s32 @!p0 $0x6;
	[sflag:s20] =	ssyncadd.s32 $0xFFFFC000  }
0x33: {  	[hbm4b:s9+s3] =	stream.linear.scatter [tilespmem:s15], [sflag:$0x8], $0x4000, $0x38;
	[tilespmem:$0x15C00] =	vst v63  }
0x34: {  	_ =	swait.ge @!p0 [sflag:s0], $0x4000  }
0x35: {  	s1 =	simm.s32 @!p0 $0x280;
	[sflag:s0] =	ssyncset.done @!p0 $0x0  }
0x36: {  	s5 =	simm.s32 @!p0 $0x80;
	s4 =	simm.s32 @!p0 $0x1C00;
	[sflag:s0] =	ssyncadd.s32 @!p0 $0xFFFFC000  }
0x37: {  	[tilespmem:s4], [sflag:$0x1] =	stream.indirect.gather @!p0 [hbm4b:s2+s5], $0x80, s1, s5, $0xb8;
	[tilespmem:$0x15C00] =	vst v63  }
0x38: {  	_ =	swait.ge [sflag:s21], $0x4000  }
0x39: {  	[sflag:s21] =	ssyncset.done $0x0  }
0x3a: {  	s1 =	simm.s32 @!p0 $0x7;
	[sflag:s21] =	ssyncadd.s32 $0xFFFFC000  }
0x3b: {  	[hbm4b:s8+s3] =	stream.linear.scatter [tilespmem:s17], [sflag:$0x9], $0x4000, $0x38;
	[tilespmem:$0x15C00] =	vst v63  }
0x3c: {  	s11 =	simm.s32 $0x1400;
	s31 =	sadd.s32 $0x2800, s8;
	_ =	swait.ge @!p0 [sflag:s1], $0x4000  }
0x3d: {  	p1 =	por $0x0, $0x0;
	s7 =	simm.s32 @!p0 $0x300;
	[sflag:s1] =	ssyncset.done @!p0 $0x0  }
0x3e: {  	s24 =	simm.s32 @!p0 $0x5C00;
	s0 =	simm.s32 $0xA00;
	[sflag:s1] =	ssyncadd.s32 @!p0 $0xFFFFC000  }
0x3f: {  	[tilespmem:s24], [sflag:$0x2] =	stream.indirect.gather @!p0 [hbm4b:s2+s5], $0x80, s7, s5, $0xb8;
	[tilespmem:$0x15C00] =	vst v63  }
0x40: {  	s4 =	sadd.s32 $0x2800, s10;
	s1 =	sadd.s32 $0x2800, s9;
	s7 =	rddreg [dreg:$0x7]  }
0x41: {  	s5 =	sadd.s32 $0x2800, s6;
	s30 =	sadd.s32 $0x2800, s7;
	_ =	swait.ge [sflag:s22], $0x4000  }
.LBB2_2:
0x42: {  	s25 =	simm.s32 @!p1 $0x8  }
0x43: {  	[sflag:s22] =	ssyncset.done $0x0;
	s24 =	smov.u32 s11;
	s11 =	sadd.s32 $0xA00, s11  }
0x44: {  	p0 =	sne.s32 s11, $0x6400;
	[sflag:s22] =	ssyncadd.s32 $0xFFFFC000  }
0x45: {  	[hbm4b:s7+s3] =	stream.linear.scatter [tilespmem:s19], [sflag:$0xA], $0x4000, $0x38;
	[tilespmem:$0x15C00] =	vst v63  }
0x46: {  	s26 =	sshra.s32 s0, $0x2;
	s7 =	smov.u32 s30;
	_ =	swait.ge @!p1 [sflag:s25], $0x4000  }
0x47: {  	s28 =	sadd.s32 $0x100, s26;
	[sflag:s25] =	ssyncset.done @!p1 $0x0  }
0x48: {  	[sflag:s25] =	ssyncadd.s32 @!p1 $0xFFFFC000  }
0x49: {  	[tilespmem:s15], [sflag:$0x3] =	stream.indirect.gather [hbm4b:s2+s12], $0x80, s28, s12, $0xb8;
	[tilespmem:$0x15C00] =	vst v63  }
0x4a: {  	_ =	swait.ge [sflag:s16], $0x4000  }
0x4b: {  	s25 =	simm.s32 @!p1 $0x9;
	[sflag:s16] =	ssyncset.done $0x0  }
0x4c: {  	[sflag:s16] =	ssyncadd.s32 $0xFFFFC000  }
0x4d: {  	[hbm4b:s5+s3] =	stream.linear.scatter [tilespmem:s13], [sflag:$0x6], $0x4000, $0x38;
	[tilespmem:$0x15C00] =	vst v63  }
0x4e: {  	_ =	swait.ge @!p1 [sflag:s25], $0x4000  }
0x4f: {  	s28 =	sadd.s32 $0x180, s26;
	[sflag:s25] =	ssyncset.done @!p1 $0x0  }
0x50: {  	[sflag:s25] =	ssyncadd.s32 @!p1 $0xFFFFC000  }
0x51: {  	[tilespmem:s17], [sflag:$0x4] =	stream.indirect.gather [hbm4b:s2+s12], $0x80, s28, s12, $0xb8;
	[tilespmem:$0x15C00] =	vst v63  }
0x52: {  	_ =	swait.ge [sflag:s18], $0x4000  }
0x53: {  	s25 =	simm.s32 @!p1 $0xA;
	[sflag:s18] =	ssyncset.done $0x0  }
0x54: {  	[sflag:s18] =	ssyncadd.s32 $0xFFFFC000  }
0x55: {  	[hbm4b:s4+s3] =	stream.linear.scatter [tilespmem:s14], [sflag:$0x7], $0x4000, $0x38;
	[tilespmem:$0x15C00] =	vst v63  }
0x56: {  	_ =	swait.ge @!p1 [sflag:s25], $0x4000  }
0x57: {  	s26 =	sadd.s32 $0x200, s26;
	[sflag:s25] =	ssyncset.done @!p1 $0x0  }
0x58: {  	[sflag:s25] =	ssyncadd.s32 @!p1 $0xFFFFC000  }
0x59: {  	[tilespmem:s19], [sflag:$0x5] =	stream.indirect.gather [hbm4b:s2+s12], $0x80, s26, s12, $0xb8;
	[tilespmem:$0x15C00] =	vst v63  }
0x5a: {  	_ =	swait.ge [sflag:s20], $0x4000  }
0x5b: {  	p1 =	seq.s32 s0, $0x5A00;
	[sflag:s20] =	ssyncset.done $0x0  }
0x5c: {  	s25 =	simm.s32 @!p1 $0x6;
	s0 =	sshra.s32 @!p1 s0, $0x2;
	[sflag:s20] =	ssyncadd.s32 $0xFFFFC000  }
0x5d: {  	[hbm4b:s1+s3] =	stream.linear.scatter [tilespmem:s15], [sflag:$0x8], $0x4000, $0x38;
	[tilespmem:$0x15C00] =	vst v63  }
0x5e: {  	s26 =	sadd.s32 @!p1 $0x280, s0;
	s28 =	sadd.s32 @!p1 $0x300, s0;
	_ =	swait.ge @!p1 [sflag:s25], $0x4000  }
0x5f: {  	s6 =	simm.s32 @!p1 $0x80;
	s23 =	simm.s32 @!p1 $0x1C00;
	[sflag:s25] =	ssyncset.done @!p1 $0x0  }
0x60: {  	s0 =	smov.u32 s24;
	[sflag:s25] =	ssyncadd.s32 @!p1 $0xFFFFC000  }
0x61: {  	[tilespmem:s23], [sflag:$0x1] =	stream.indirect.gather @!p1 [hbm4b:s2+s6], $0x80, s26, s6, $0xb8;
	[tilespmem:$0x15C00] =	vst v63  }
0x62: {  	_ =	swait.ge [sflag:s21], $0x4000  }
0x63: {  	[sflag:s21] =	ssyncset.done $0x0  }
0x64: {  	s23 =	simm.s32 @!p1 $0x7;
	[sflag:s21] =	ssyncadd.s32 $0xFFFFC000  }
0x65: {  	[hbm4b:s31+s3] =	stream.linear.scatter [tilespmem:s17], [sflag:$0x9], $0x4000, $0x38;
	[tilespmem:$0x15C00] =	vst v63  }
.Ltmp0:
0x66: {  	s4 =	sadd.s32 $0x2800, s4;
	_ =	swait.ge @!p1 [sflag:s23], $0x4000;
	(pc) =	sbr.rel @p0 .LBB2_2-.Ltmp0, $4  }
0x67: {  	s24 =	simm.s32 @!p1 $0x5C00;
	s1 =	sadd.s32 $0x2800, s1;
	[sflag:s23] =	ssyncset.done @!p1 $0x0  }
0x68: {  	s30 =	sadd.s32 $0x2800, s30;
	s31 =	sadd.s32 $0x2800, s31;
	[sflag:s23] =	ssyncadd.s32 @!p1 $0xFFFFC000  }
0x69: {  	[tilespmem:s24], [sflag:$0x2] =	stream.indirect.gather @!p1 [hbm4b:s2+s6], $0x80, s28, s6, $0xb8;
	[tilespmem:$0x15C00] =	vst v63  }
0x6a: {  	s5 =	sadd.s32 $0x2800, s5;
	p1 =	seq.s32 s0, $0x0;
	_ =	swait.ge [sflag:s22], $0x4000  }
0x6b: {  	[sflag:s22] =	ssyncset.done $0x0  }
0x6c: {  	s6 =	simm.s32 @!p1 $0x8;
	[sflag:s22] =	ssyncadd.s32 $0xFFFFC000  }
0x6d: {  	[hbm4b:s7+s3] =	stream.linear.scatter [tilespmem:s19], [sflag:$0xA], $0x4000, $0x38;
	[tilespmem:$0x15C00] =	vst v63  }
0x6e: {  	_ =	swait.ge @!p1 [sflag:s6], $0x4000  }
0x6f: {  	s26 =	sshra.s32 s0, $0x2;
	[sflag:s6] =	ssyncset.done @!p1 $0x0  }
0x70: {  	s28 =	sadd.s32 $0x100, s26;
	[sflag:s6] =	ssyncadd.s32 @!p1 $0xFFFFC000  }
0x71: {  	[tilespmem:s15], [sflag:$0x3] =	stream.indirect.gather [hbm4b:s2+s12], $0x80, s28, s12, $0xb8;
	[tilespmem:$0x15C00] =	vst v63  }
0x72: {  	_ =	swait.ge [sflag:s16], $0x4000  }
0x73: {  	[sflag:s16] =	ssyncset.done $0x0  }
0x74: {  	[sflag:s16] =	ssyncadd.s32 $0xFFFFC000  }
0x75: {  	[hbm4b:s5+s3] =	stream.linear.scatter [tilespmem:s13], [sflag:$0x6], $0x4000, $0x38;
	[tilespmem:$0x15C00] =	vst v63  }
0x76: {  	s5 =	simm.s32 @!p1 $0x9  }
0x77: {  	_ =	swait.ge @!p1 [sflag:s5], $0x4000  }
0x78: {  	[sflag:s5] =	ssyncset.done @!p1 $0x0  }
0x79: {  	s11 =	sadd.s32 $0x180, s26;
	[sflag:s5] =	ssyncadd.s32 @!p1 $0xFFFFC000  }
0x7a: {  	[tilespmem:s17], [sflag:$0x4] =	stream.indirect.gather [hbm4b:s2+s12], $0x80, s11, s12, $0xb8;
	[tilespmem:$0x15C00] =	vst v63  }
0x7b: {  	_ =	swait.ge [sflag:s18], $0x4000  }
0x7c: {  	[sflag:s18] =	ssyncset.done $0x0  }
0x7d: {  	[sflag:s18] =	ssyncadd.s32 $0xFFFFC000  }
0x7e: {  	[hbm4b:s4+s3] =	stream.linear.scatter [tilespmem:s14], [sflag:$0x7], $0x4000, $0x38;
	[tilespmem:$0x15C00] =	vst v63  }
0x7f: {  	s4 =	simm.s32 @!p1 $0xA  }
0x80: {  	_ =	swait.ge @!p1 [sflag:s4], $0x4000  }
0x81: {  	[sflag:s4] =	ssyncset.done @!p1 $0x0  }
0x82: {  	s23 =	sadd.s32 $0x200, s26;
	[sflag:s4] =	ssyncadd.s32 @!p1 $0xFFFFC000  }
0x83: {  	[tilespmem:s19], [sflag:$0x5] =	stream.indirect.gather [hbm4b:s2+s12], $0x80, s23, s12, $0xb8;
	[tilespmem:$0x15C00] =	vst v63  }
0x84: {  	_ =	swait.ge [sflag:s20], $0x4000  }
0x85: {  	p0 =	seq.s32 s0, $0x5A00;
	[sflag:s20] =	ssyncset.done $0x0  }
0x86: {  	s4 =	simm.s32 @!p0 $0x6;
	[sflag:s20] =	ssyncadd.s32 $0xFFFFC000  }
0x87: {  	[hbm4b:s1+s3] =	stream.linear.scatter [tilespmem:s15], [sflag:$0x8], $0x4000, $0x38;
	[tilespmem:$0x15C00] =	vst v63  }
0x88: {  	_ =	swait.ge @!p0 [sflag:s4], $0x4000  }
0x89: {  	s0 =	sshra.s32 @!p0 s0, $0x2;
	s5 =	simm.s32 @!p0 $0x80;
	[sflag:s4] =	ssyncset.done @!p0 $0x0  }
0x8a: {  	s1 =	sadd.s32 @!p0 $0x280, s0;
	[sflag:s4] =	ssyncadd.s32 @!p0 $0xFFFFC000;
	s4 =	simm.s32 @!p0 $0x1C00  }
0x8b: {  	[tilespmem:s4], [sflag:$0x1] =	stream.indirect.gather @!p0 [hbm4b:s2+s5], $0x80, s1, s5, $0xb8;
	[tilespmem:$0x15C00] =	vst v63  }
0x8c: {  	_ =	swait.ge [sflag:s21], $0x4000  }
0x8d: {  	[sflag:s21] =	ssyncset.done $0x0  }
0x8e: {  	s1 =	simm.s32 @!p0 $0x7;
	[sflag:s21] =	ssyncadd.s32 $0xFFFFC000  }
0x8f: {  	[hbm4b:s31+s3] =	stream.linear.scatter [tilespmem:s17], [sflag:$0x9], $0x4000, $0x38;
	[tilespmem:$0x15C00] =	vst v63  }
0x90: {  	_ =	swait.ge @!p0 [sflag:s1], $0x4000  }
0x91: {  	[sflag:s1] =	ssyncset.done @!p0 $0x0  }
0x92: {  	s0 =	sadd.s32 @!p0 $0x300, s0;
	[sflag:s1] =	ssyncadd.s32 @!p0 $0xFFFFC000;
	s1 =	simm.s32 @!p0 $0x5C00  }
0x93: {  	[tilespmem:s1], [sflag:$0x2] =	stream.indirect.gather @!p0 [hbm4b:s2+s5], $0x80, s0, s5, $0xb8;
	[tilespmem:$0x15C00] =	vst v63  }
0x94: {  	_ =	swait.ge [sflag:s22], $0x4000  }
0x95: {  	[sflag:s22] =	ssyncset.done $0x0  }
0x96: {  	s24 =	simm.s32 $0x6;
	[sflag:s22] =	ssyncadd.s32 $0xFFFFC000  }
0x97: {  	[hbm4b:s30+s3] =	stream.linear.scatter [tilespmem:s19], [sflag:$0xA], $0x4000, $0x38;
	[tilespmem:$0x15C00] =	vst v63  }
0x98: {  	_ =	swait.ge [sflag:s24], $0x4000  }
0x99: {  	[sflag:s24] =	ssyncset.done $0x0  }
0x9a: {  	s25 =	simm.s32 $0x7;
	[sflag:s24] =	ssyncadd.s32 $0xFFFFC000  }
0x9b: {  	_ =	swait.ge [sflag:s25], $0x4000  }
0x9c: {  	[sflag:s25] =	ssyncset.done $0x0  }
0x9d: {  	s26 =	simm.s32 $0x8;
	[sflag:s25] =	ssyncadd.s32 $0xFFFFC000  }
0x9e: {  	_ =	swait.ge [sflag:s26], $0x4000  }
0x9f: {  	[sflag:s26] =	ssyncset.done $0x0  }
0xa0: {  	s28 =	simm.s32 $0x9;
	[sflag:s26] =	ssyncadd.s32 $0xFFFFC000  }
0xa1: {  	_ =	swait.ge [sflag:s28], $0x4000  }
0xa2: {  	[sflag:s28] =	ssyncset.done $0x0  }
0xa3: {  	s30 =	simm.s32 $0xA;
	[sflag:s28] =	ssyncadd.s32 $0xFFFFC000  }
0xa4: {  	_ =	swait.ge [sflag:s30], $0x4000  }
0xa5: {  	s29 =	sadd.s32 $0x1, s29;
	s31 =	rddreg [dreg:$0x5]  }
0xa6: {  	p0 =	sne.s32 s29, s31  }
.Ltmp1:
0xa7: {  	_ = 	snop;
	(pc) =	sbr.rel @p0 .LBB2_1-.Ltmp1, $3  }
0xa8: {  	_ =	sdelay $0x1  }
0xa9: {  	[sflag:s30] =	ssyncset.done $0x0  }
0xaa: {  	[sflag:s30] =	ssyncadd.s32 $0xFFFFC000  }
0xab: {  	_ =	sfence.sel $0x180000  }
0xac: {  	[bflag:$0x0] =	sbarrier.arrive $0xFFFF  }
0xad: {  	_ =	strace $0x90000047  }
0xae: {  	s0 =	stileid.u32;
	[bflag:$0x2] =	sbarrier.arrive $0xFFFF  }
0xaf: {  	p0 =	sne.s32 s0, $0x0;
	s0 =	rddreg [dreg:$0x3]  }
0xb0: {  	s0 =	sadd.s32 @!p0 $0x100000, s0  }
0xb1: {  	[sflag:s0] =	ssyncadd.tile.s32 @!p0 $0x1;
	_ =	shalt  }
.Lfunc_end2:
_tile_overlayer_lowered:
.L_overlay_start_2:
0xb2: {  	(tag) =	ssettag $0x2  }
0xb3: {  	s0 =	rddreg [dreg:$0x0];
	s2 =	stileid.u32  }
0xb4: {  	s1 =	rddreg [dreg:$0x1];
	p0 =	sne.s32 s2, $0x0  }
0xb5: {  	s3 =	rddreg [dreg:$0x2];
	[bflag:$0x3] =	sbarrier.arrive $0xFFFF;
	s2 =	simm.s32 @!p0 $0x1C0B  }
0xb6: {  	[timem:s3], [sflag:s2] =	dma.local @!p0 [hbm:s0], s1  }
0xb7: {  	s0 =	simm.s32 @!p0 $0xB  }
0xb8: {  	_ =	swait.ge @!p0 [sflag:s0], s1  }
0xb9: {  	s1 =	ssub.s32 @!p0 $0x0, s1;
	[sflag:s0] =	ssyncset.done @!p0 $0x0  }
0xba: {  	[sflag:s0] =	ssyncadd.s32 @!p0 s1  }
0xbb: {  	[bflag:$0x3] =	sbarrier.arrive $0xFFFF  }
0xbc: {  	_ =	shalt  }

</sc_bundles>
